<compile_context>
chip_gen: v7x
topology: tpu7x:2x2x1
jax: 0.10.2.dev20260603
libtpu: 0.0.44.dev20260713+nightly
codegen_flags: <defaults>
</compile_context>

<pallas_src>
import jax
import jax.numpy as jnp
from jax import lax
from jax.experimental import pallas as pl
from jax.experimental.pallas import tpu as pltpu
from jax.experimental.pallas import tpu_sc as plsc

B = 16
C = 384
H = 96
W = 96
K = 90
L = 16
NC = 2
NS = 16
KPT = 3
NT = K // KPT


def _body(table, vert, out, vert_v, gbuf, gsems, wsem):
    wid = lax.axis_index("s") * NC + lax.axis_index("c")

    @pl.when(wid < NT)
    def _():
        pltpu.sync_copy(vert, vert_v)

        b_vec = lax.iota(jnp.int32, L)
        zero = jnp.zeros((L,), jnp.int32)
        one = zero + 1
        row0 = b_vec * (H * W)
        gcps = []
        for kk in range(KPT):
            k_vec = zero + (KPT * wid + kk)
            i = plsc.load_gather(vert_v, [b_vec, zero, k_vec])
            j = plsc.load_gather(vert_v, [b_vec, one, k_vec])
            idx_vec = row0 + i * W + j
            gcps.append(
                pltpu.async_copy(table.at[idx_vec], gbuf.at[kk], gsems[kk])
            )
        wcps = []
        for kk in range(KPT):
            gcps[kk].wait()
            wcps.append(
                pltpu.async_copy(
                    gbuf.at[kk], out.at[wid, pl.ds(kk * L, L)], wsem
                )
            )
        for wcp in wcps:
            wcp.wait()


@jax.jit
def _sampler(table, vert_flat):
    mesh = plsc.VectorSubcoreMesh(
        core_axis_name="c", subcore_axis_name="s", num_cores=NC, num_subcores=NS
    )
    f = pl.kernel(
        _body,
        out_type=jax.ShapeDtypeStruct((NT, KPT * B, C), jnp.float32),
        mesh=mesh,
        compiler_params=pltpu.CompilerParams(
            needs_layout_passes=False, use_tc_tiling_on_sc=True
        ),
        scratch_types=[
            pltpu.VMEM((B, 2, K), jnp.int32),
            pltpu.VMEM((KPT, L, C), jnp.float32),
            [pltpu.SemaphoreType.DMA] * KPT,
            pltpu.SemaphoreType.DMA,
        ],
    )
    return f(table, vert_flat)


def kernel(x, vertexs):
    table = x.transpose(0, 2, 3, 1).reshape(B * H * W, C)
    vert_t = vertexs.astype(jnp.int32).transpose(0, 2, 1)
    out = _sampler(table, vert_t)
    return out.reshape(K, B, C).transpose(1, 2, 0)

# --- scband reference (transcript-rebuilt; emitter-appended) ---
"""Pipeline reference for scband-vertex-sampler-6837587935505 (READ-ONLY COPY).

The authoritative reference and input builder live on the scoring server;
editing this copy changes nothing except your own understanding.
"""

import jax, jax.numpy as jnp
import numpy as np


def setup_inputs(seed: int = 0) -> dict:
    key = jax.random.key(seed)
    kx, kv = jax.random.split(key)
    x = jax.random.normal(kx, (16, 384, 96, 96), dtype=jnp.float32)
    vertexs = jax.random.randint(kv, (16, 90, 2), 0, 96, dtype=jnp.int64 if jax.config.jax_enable_x64 else jnp.int32)
    return {"x": x, "vertexs": vertexs}


def reference(x, vertexs):
    # x: (B, C, H4, W4); vertexs: (B, n_ray, 2) with (i, j) per vertex
    # out[b, :, idx] = x[b, :, i, j]  -> vectorized gather per batch element
    i = vertexs[..., 0]  # (B, n_ray)
    j = vertexs[..., 1]  # (B, n_ray)

    def gather_one(xb, ib, jb):
        # xb: (C, H4, W4), ib/jb: (n_ray,) -> (C, n_ray)
        return xb[:, ib, jb]

    out = jax.vmap(gather_one)(x, i, j)  # (B, C, n_ray)
    return out

if __name__ == "__main__":
    import jax
    _d = setup_inputs()
    print(jax.jit(kernel)(*tuple(_d.values())))

</pallas_src>

<mosaic_0001>
#map = affine_map<(d0, d1) -> (0, 0)>
#map1 = affine_map<(d0, d1) -> (0, 0, 0)>
module attributes {stable_mosaic.version = 14 : i64} {
  func.func @_body(%arg0: i32, %arg1: i32, %arg2: memref<147456x384xf32, #tpu.memory_space<hbm>>, %arg3: memref<16x2x90xi32, #tpu.memory_space<hbm>>, %arg4: memref<30x48x384xf32, #tpu.memory_space<hbm>>, %arg5: memref<16x2x90xi32, #tpu.memory_space<vmem>>, %arg6: memref<3x16x384xf32, #tpu.memory_space<vmem>>, %arg7: memref<!tpu.dma_semaphore, #tpu.memory_space<semaphore_mem>>, %arg8: memref<!tpu.dma_semaphore, #tpu.memory_space<semaphore_mem>>, %arg9: memref<!tpu.dma_semaphore, #tpu.memory_space<semaphore_mem>>, %arg10: memref<!tpu.dma_semaphore, #tpu.memory_space<semaphore_mem>>) attributes {dimension_semantics = [#tpu.dimension_semantics<core_parallel>, #tpu.dimension_semantics<subcore_parallel>], iteration_bounds = array<i64: 2, 16>, scalar_prefetch = 0 : i64, scratch_operands = 6 : i64, tpu.core_type = #tpu.core_type<sc_vector_subcore>, window_params = [{transform_indices = #map}, {transform_indices = #map1}, {transform_indices = #map1}]} {
    %mul3A = arith.constant 2 : i32
    %mul3A_0 = arith.muli %arg1, %mul3A : i32
    %add3A = arith.addi %mul3A_0, %arg0 : i32
    %lt3A = arith.constant 30 : i32
    %lt3A_1 = arith.cmpi slt, %add3A, %lt3A : i32
    %convert_element_type3A = arith.extui %lt3A_1 : i1 to i32
    %cond3A = arith.constant 0 : i32
    %cond3A_2 = arith.cmpi ne, %convert_element_type3A, %cond3A : i32
    scf.if %cond3A_2 {
      "tpu.region"() ({
        %run_scoped3A = tpu.sem_alloc : memref<!tpu.dma_semaphore, #tpu.memory_space<semaphore_mem>>
        tpu.enqueue_dma source(%arg3 : memref<16x2x90xi32, #tpu.memory_space<hbm>>) target(%arg5 : memref<16x2x90xi32, #tpu.memory_space<vmem>>) target_semaphore(%run_scoped3A : memref<!tpu.dma_semaphore, #tpu.memory_space<semaphore_mem>>)
        tpu.wait_dma2 semaphore(%run_scoped3A : memref<!tpu.dma_semaphore, #tpu.memory_space<semaphore_mem>>) src(%arg3 : memref<16x2x90xi32, #tpu.memory_space<hbm>>) dst(%arg5 : memref<16x2x90xi32, #tpu.memory_space<vmem>>)
        tpu.yield
      }) : () -> ()
      %iota3A = tpu.iota {dimensions = array<i32: 0>} : vector<16xi32>
      %broadcast_in_dim3A = arith.constant 0 : i32
      %broadcast_in_dim3A_3 = vector.broadcast %broadcast_in_dim3A : i32 to vector<16xi32>
      %add3A_4 = arith.constant 1 : i32
      %add3A_5 = vector.broadcast %add3A_4 : i32 to vector<16xi32>
      %add3A_6 = arith.addi %broadcast_in_dim3A_3, %add3A_5 : vector<16xi32>
      %mul3A_7 = arith.constant 9216 : i32
      %mul3A_8 = vector.broadcast %mul3A_7 : i32 to vector<16xi32>
      %mul3A_9 = arith.muli %iota3A, %mul3A_8 : vector<16xi32>
      %mul3A_10 = arith.constant 3 : i32
      %mul3A_11 = arith.muli %mul3A_10, %add3A : i32
      %add3A_12 = arith.constant 0 : i32
      %add3A_13 = arith.addi %mul3A_11, %add3A_12 : i32
      %add3A_14 = vector.broadcast %add3A_13 : i32 to vector<16xi32>
      %add3A_15 = arith.addi %broadcast_in_dim3A_3, %add3A_14 : vector<16xi32>
      %gather3A = tpu.vector_load_idx %arg5[%iota3A, %broadcast_in_dim3A_3, %add3A_15] : memref<16x2x90xi32, #tpu.memory_space<vmem>>[vector<16xi32>, vector<16xi32>, vector<16xi32>], vector<16xi32>,
      %gather3A_16 = tpu.vector_load_idx %arg5[%iota3A, %add3A_6, %add3A_15] : memref<16x2x90xi32, #tpu.memory_space<vmem>>[vector<16xi32>, vector<16xi32>, vector<16xi32>], vector<16xi32>,
      %mul3A_17 = arith.constant 96 : i32
      %mul3A_18 = vector.broadcast %mul3A_17 : i32 to vector<16xi32>
      %mul3A_19 = arith.muli %gather3A, %mul3A_18 : vector<16xi32>
      %add3A_20 = arith.addi %mul3A_9, %mul3A_19 : vector<16xi32>
      %add3A_21 = arith.addi %add3A_20, %gather3A_16 : vector<16xi32>
      %dma_start3A = arith.constant 0 : i32
      %dma_start3A_22 = arith.constant 0 : i32
      %dma_start3A_23 = arith.constant 0 : i32
      %dma_start3A_24 = tpu.memref_slice %arg6[%dma_start3A, %dma_start3A_22, %dma_start3A_23] : memref<3x16x384xf32, #tpu.memory_space<vmem>> -> memref<1x16x384xf32, #tpu.memory_space<vmem>>
      %dma_start3A_25 = tpu.memref_squeeze %dma_start3A_24 : memref<1x16x384xf32, #tpu.memory_space<vmem>> -> memref<16x384xf32, #tpu.memory_space<vmem>>
      %dma_start3A_26 = arith.constant 0 : i32
      %dma_start3A_27 = arith.constant 0 : i32
      %dma_start3A_28 = tpu.memref_slice %arg2[%dma_start3A_26, %dma_start3A_27] : memref<147456x384xf32, #tpu.memory_space<hbm>> -> memref<147456x384xf32, #tpu.memory_space<hbm>>
      tpu.enqueue_indirect_dma source(%dma_start3A_28 : memref<147456x384xf32, #tpu.memory_space<hbm>>) target(%dma_start3A_25 : memref<16x384xf32, #tpu.memory_space<vmem>>) offsets(%add3A_21 : vector<16xi32>) semaphore(%arg7 : memref<!tpu.dma_semaphore, #tpu.memory_space<semaphore_mem>>)
      %mul3A_29 = arith.constant 3 : i32
      %mul3A_30 = arith.muli %mul3A_29, %add3A : i32
      %add3A_31 = arith.constant 1 : i32
      %add3A_32 = arith.addi %mul3A_30, %add3A_31 : i32
      %add3A_33 = vector.broadcast %add3A_32 : i32 to vector<16xi32>
      %add3A_34 = arith.addi %broadcast_in_dim3A_3, %add3A_33 : vector<16xi32>
      %gather3A_35 = tpu.vector_load_idx %arg5[%iota3A, %broadcast_in_dim3A_3, %add3A_34] : memref<16x2x90xi32, #tpu.memory_space<vmem>>[vector<16xi32>, vector<16xi32>, vector<16xi32>], vector<16xi32>,
      %gather3A_36 = tpu.vector_load_idx %arg5[%iota3A, %add3A_6, %add3A_34] : memref<16x2x90xi32, #tpu.memory_space<vmem>>[vector<16xi32>, vector<16xi32>, vector<16xi32>], vector<16xi32>,
      %mul3A_37 = arith.constant 96 : i32
      %mul3A_38 = vector.broadcast %mul3A_37 : i32 to vector<16xi32>
      %mul3A_39 = arith.muli %gather3A_35, %mul3A_38 : vector<16xi32>
      %add3A_40 = arith.addi %mul3A_9, %mul3A_39 : vector<16xi32>
      %add3A_41 = arith.addi %add3A_40, %gather3A_36 : vector<16xi32>
      %dma_start3A_42 = arith.constant 1 : i32
      %dma_start3A_43 = arith.constant 0 : i32
      %dma_start3A_44 = arith.constant 0 : i32
      %dma_start3A_45 = tpu.memref_slice %arg6[%dma_start3A_42, %dma_start3A_43, %dma_start3A_44] : memref<3x16x384xf32, #tpu.memory_space<vmem>> -> memref<1x16x384xf32, #tpu.memory_space<vmem>>
      %dma_start3A_46 = tpu.memref_squeeze %dma_start3A_45 : memref<1x16x384xf32, #tpu.memory_space<vmem>> -> memref<16x384xf32, #tpu.memory_space<vmem>>
      %dma_start3A_47 = arith.constant 0 : i32
      %dma_start3A_48 = arith.constant 0 : i32
      %dma_start3A_49 = tpu.memref_slice %arg2[%dma_start3A_47, %dma_start3A_48] : memref<147456x384xf32, #tpu.memory_space<hbm>> -> memref<147456x384xf32, #tpu.memory_space<hbm>>
      tpu.enqueue_indirect_dma source(%dma_start3A_49 : memref<147456x384xf32, #tpu.memory_space<hbm>>) target(%dma_start3A_46 : memref<16x384xf32, #tpu.memory_space<vmem>>) offsets(%add3A_41 : vector<16xi32>) semaphore(%arg8 : memref<!tpu.dma_semaphore, #tpu.memory_space<semaphore_mem>>)
      %mul3A_50 = arith.constant 3 : i32
      %mul3A_51 = arith.muli %mul3A_50, %add3A : i32
      %add3A_52 = arith.constant 2 : i32
      %add3A_53 = arith.addi %mul3A_51, %add3A_52 : i32
      %add3A_54 = vector.broadcast %add3A_53 : i32 to vector<16xi32>
      %add3A_55 = arith.addi %broadcast_in_dim3A_3, %add3A_54 : vector<16xi32>
      %gather3A_56 = tpu.vector_load_idx %arg5[%iota3A, %broadcast_in_dim3A_3, %add3A_55] : memref<16x2x90xi32, #tpu.memory_space<vmem>>[vector<16xi32>, vector<16xi32>, vector<16xi32>], vector<16xi32>,
      %gather3A_57 = tpu.vector_load_idx %arg5[%iota3A, %add3A_6, %add3A_55] : memref<16x2x90xi32, #tpu.memory_space<vmem>>[vector<16xi32>, vector<16xi32>, vector<16xi32>], vector<16xi32>,
      %mul3A_58 = arith.constant 96 : i32
      %mul3A_59 = vector.broadcast %mul3A_58 : i32 to vector<16xi32>
      %mul3A_60 = arith.muli %gather3A_56, %mul3A_59 : vector<16xi32>
      %add3A_61 = arith.addi %mul3A_9, %mul3A_60 : vector<16xi32>
      %add3A_62 = arith.addi %add3A_61, %gather3A_57 : vector<16xi32>
      %dma_start3A_63 = arith.constant 2 : i32
      %dma_start3A_64 = arith.constant 0 : i32
      %dma_start3A_65 = arith.constant 0 : i32
      %dma_start3A_66 = tpu.memref_slice %arg6[%dma_start3A_63, %dma_start3A_64, %dma_start3A_65] : memref<3x16x384xf32, #tpu.memory_space<vmem>> -> memref<1x16x384xf32, #tpu.memory_space<vmem>>
      %dma_start3A_67 = tpu.memref_squeeze %dma_start3A_66 : memref<1x16x384xf32, #tpu.memory_space<vmem>> -> memref<16x384xf32, #tpu.memory_space<vmem>>
      %dma_start3A_68 = arith.constant 0 : i32
      %dma_start3A_69 = arith.constant 0 : i32
      %dma_start3A_70 = tpu.memref_slice %arg2[%dma_start3A_68, %dma_start3A_69] : memref<147456x384xf32, #tpu.memory_space<hbm>> -> memref<147456x384xf32, #tpu.memory_space<hbm>>
      tpu.enqueue_indirect_dma source(%dma_start3A_70 : memref<147456x384xf32, #tpu.memory_space<hbm>>) target(%dma_start3A_67 : memref<16x384xf32, #tpu.memory_space<vmem>>) offsets(%add3A_62 : vector<16xi32>) semaphore(%arg9 : memref<!tpu.dma_semaphore, #tpu.memory_space<semaphore_mem>>)
      %dma_wait3A = arith.constant 0 : i32
      %dma_wait3A_71 = arith.constant 0 : i32
      %dma_wait3A_72 = arith.constant 0 : i32
      %dma_wait3A_73 = tpu.memref_slice %arg6[%dma_wait3A, %dma_wait3A_71, %dma_wait3A_72] : memref<3x16x384xf32, #tpu.memory_space<vmem>> -> memref<1x16x384xf32, #tpu.memory_space<vmem>>
      %dma_wait3A_74 = tpu.memref_squeeze %dma_wait3A_73 : memref<1x16x384xf32, #tpu.memory_space<vmem>> -> memref<16x384xf32, #tpu.memory_space<vmem>>
      %dma_wait3A_75 = arith.constant 0 : i32
      %dma_wait3A_76 = arith.constant 0 : i32
      %dma_wait3A_77 = tpu.memref_slice %arg2[%dma_wait3A_75, %dma_wait3A_76] : memref<147456x384xf32, #tpu.memory_space<hbm>> -> memref<147456x384xf32, #tpu.memory_space<hbm>>
      tpu.wait_indirect_dma semaphore(%arg7 : memref<!tpu.dma_semaphore, #tpu.memory_space<semaphore_mem>>) src(%dma_wait3A_77 : memref<147456x384xf32, #tpu.memory_space<hbm>>) dst(%dma_wait3A_74 : memref<16x384xf32, #tpu.memory_space<vmem>>)
      %dma_start3A_78 = arith.constant 0 : i32
      %dma_start3A_79 = arith.constant 0 : i32
      %dma_start3A_80 = arith.constant 0 : i32
      %dma_start3A_81 = tpu.memref_slice %arg6[%dma_start3A_78, %dma_start3A_79, %dma_start3A_80] : memref<3x16x384xf32, #tpu.memory_space<vmem>> -> memref<1x16x384xf32, #tpu.memory_space<vmem>>
      %dma_start3A_82 = tpu.memref_squeeze %dma_start3A_81 : memref<1x16x384xf32, #tpu.memory_space<vmem>> -> memref<16x384xf32, #tpu.memory_space<vmem>>
      %dma_start3A_83 = arith.constant 0 : i32
      %dma_start3A_84 = arith.constant 0 : i32
      %dma_start3A_85 = tpu.memref_slice %arg4[%add3A, %dma_start3A_83, %dma_start3A_84] : memref<30x48x384xf32, #tpu.memory_space<hbm>> -> memref<1x16x384xf32, #tpu.memory_space<hbm>>
      %dma_start3A_86 = tpu.memref_squeeze %dma_start3A_85 : memref<1x16x384xf32, #tpu.memory_space<hbm>> -> memref<16x384xf32, #tpu.memory_space<hbm>>
      %dma_start3A_87 = arith.constant 0 : i32
      %dma_start3A_88 = arith.constant 0 : i32
      %dma_start3A_89 = tpu.memref_slice %arg4[%add3A, %dma_start3A_87, %dma_start3A_88] : memref<30x48x384xf32, #tpu.memory_space<hbm>> -> memref<1x16x384xf32, #tpu.memory_space<hbm>>
      %dma_start3A_90 = tpu.memref_squeeze %dma_start3A_89 : memref<1x16x384xf32, #tpu.memory_space<hbm>> -> memref<16x384xf32, #tpu.memory_space<hbm>>
      %dma_start3A_91 = arith.constant 0 : i32
      %dma_start3A_92 = arith.constant 0 : i32
      %dma_start3A_93 = tpu.memref_slice %arg6[%dma_start3A_78, %dma_start3A_91, %dma_start3A_92] : memref<3x16x384xf32, #tpu.memory_space<vmem>> -> memref<1x16x384xf32, #tpu.memory_space<vmem>>
      %dma_start3A_94 = tpu.memref_squeeze %dma_start3A_93 : memref<1x16x384xf32, #tpu.memory_space<vmem>> -> memref<16x384xf32, #tpu.memory_space<vmem>>
      tpu.enqueue_dma source(%dma_start3A_94 : memref<16x384xf32, #tpu.memory_space<vmem>>) target(%dma_start3A_90 : memref<16x384xf32, #tpu.memory_space<hbm>>) target_semaphore(%arg10 : memref<!tpu.dma_semaphore, #tpu.memory_space<semaphore_mem>>)
      %dma_wait3A_95 = arith.constant 1 : i32
      %dma_wait3A_96 = arith.constant 0 : i32
      %dma_wait3A_97 = arith.constant 0 : i32
      %dma_wait3A_98 = tpu.memref_slice %arg6[%dma_wait3A_95, %dma_wait3A_96, %dma_wait3A_97] : memref<3x16x384xf32, #tpu.memory_space<vmem>> -> memref<1x16x384xf32, #tpu.memory_space<vmem>>
      %dma_wait3A_99 = tpu.memref_squeeze %dma_wait3A_98 : memref<1x16x384xf32, #tpu.memory_space<vmem>> -> memref<16x384xf32, #tpu.memory_space<vmem>>
      %dma_wait3A_100 = arith.constant 0 : i32
      %dma_wait3A_101 = arith.constant 0 : i32
      %dma_wait3A_102 = tpu.memref_slice %arg2[%dma_wait3A_100, %dma_wait3A_101] : memref<147456x384xf32, #tpu.memory_space<hbm>> -> memref<147456x384xf32, #tpu.memory_space<hbm>>
      tpu.wait_indirect_dma semaphore(%arg8 : memref<!tpu.dma_semaphore, #tpu.memory_space<semaphore_mem>>) src(%dma_wait3A_102 : memref<147456x384xf32, #tpu.memory_space<hbm>>) dst(%dma_wait3A_99 : memref<16x384xf32, #tpu.memory_space<vmem>>)
      %dma_start3A_103 = arith.constant 1 : i32
      %dma_start3A_104 = arith.constant 0 : i32
      %dma_start3A_105 = arith.constant 0 : i32
      %dma_start3A_106 = tpu.memref_slice %arg6[%dma_start3A_103, %dma_start3A_104, %dma_start3A_105] : memref<3x16x384xf32, #tpu.memory_space<vmem>> -> memref<1x16x384xf32, #tpu.memory_space<vmem>>
      %dma_start3A_107 = tpu.memref_squeeze %dma_start3A_106 : memref<1x16x384xf32, #tpu.memory_space<vmem>> -> memref<16x384xf32, #tpu.memory_space<vmem>>
      %dma_start3A_108 = arith.constant 16 : i32
      %dma_start3A_109 = arith.constant 0 : i32
      %dma_start3A_110 = tpu.memref_slice %arg4[%add3A, %dma_start3A_108, %dma_start3A_109] : memref<30x48x384xf32, #tpu.memory_space<hbm>> -> memref<1x16x384xf32, #tpu.memory_space<hbm>>
      %dma_start3A_111 = tpu.memref_squeeze %dma_start3A_110 : memref<1x16x384xf32, #tpu.memory_space<hbm>> -> memref<16x384xf32, #tpu.memory_space<hbm>>
      %dma_start3A_112 = arith.constant 16 : i32
      %dma_start3A_113 = arith.constant 0 : i32
      %dma_start3A_114 = tpu.memref_slice %arg4[%add3A, %dma_start3A_112, %dma_start3A_113] : memref<30x48x384xf32, #tpu.memory_space<hbm>> -> memref<1x16x384xf32, #tpu.memory_space<hbm>>
      %dma_start3A_115 = tpu.memref_squeeze %dma_start3A_114 : memref<1x16x384xf32, #tpu.memory_space<hbm>> -> memref<16x384xf32, #tpu.memory_space<hbm>>
      %dma_start3A_116 = arith.constant 0 : i32
      %dma_start3A_117 = arith.constant 0 : i32
      %dma_start3A_118 = tpu.memref_slice %arg6[%dma_start3A_103, %dma_start3A_116, %dma_start3A_117] : memref<3x16x384xf32, #tpu.memory_space<vmem>> -> memref<1x16x384xf32, #tpu.memory_space<vmem>>
      %dma_start3A_119 = tpu.memref_squeeze %dma_start3A_118 : memref<1x16x384xf32, #tpu.memory_space<vmem>> -> memref<16x384xf32, #tpu.memory_space<vmem>>
      tpu.enqueue_dma source(%dma_start3A_119 : memref<16x384xf32, #tpu.memory_space<vmem>>) target(%dma_start3A_115 : memref<16x384xf32, #tpu.memory_space<hbm>>) target_semaphore(%arg10 : memref<!tpu.dma_semaphore, #tpu.memory_space<semaphore_mem>>)
      %dma_wait3A_120 = arith.constant 2 : i32
      %dma_wait3A_121 = arith.constant 0 : i32
      %dma_wait3A_122 = arith.constant 0 : i32
      %dma_wait3A_123 = tpu.memref_slice %arg6[%dma_wait3A_120, %dma_wait3A_121, %dma_wait3A_122] : memref<3x16x384xf32, #tpu.memory_space<vmem>> -> memref<1x16x384xf32, #tpu.memory_space<vmem>>
      %dma_wait3A_124 = tpu.memref_squeeze %dma_wait3A_123 : memref<1x16x384xf32, #tpu.memory_space<vmem>> -> memref<16x384xf32, #tpu.memory_space<vmem>>
      %dma_wait3A_125 = arith.constant 0 : i32
      %dma_wait3A_126 = arith.constant 0 : i32
      %dma_wait3A_127 = tpu.memref_slice %arg2[%dma_wait3A_125, %dma_wait3A_126] : memref<147456x384xf32, #tpu.memory_space<hbm>> -> memref<147456x384xf32, #tpu.memory_space<hbm>>
      tpu.wait_indirect_dma semaphore(%arg9 : memref<!tpu.dma_semaphore, #tpu.memory_space<semaphore_mem>>) src(%dma_wait3A_127 : memref<147456x384xf32, #tpu.memory_space<hbm>>) dst(%dma_wait3A_124 : memref<16x384xf32, #tpu.memory_space<vmem>>)
      %dma_start3A_128 = arith.constant 2 : i32
      %dma_start3A_129 = arith.constant 0 : i32
      %dma_start3A_130 = arith.constant 0 : i32
      %dma_start3A_131 = tpu.memref_slice %arg6[%dma_start3A_128, %dma_start3A_129, %dma_start3A_130] : memref<3x16x384xf32, #tpu.memory_space<vmem>> -> memref<1x16x384xf32, #tpu.memory_space<vmem>>
      %dma_start3A_132 = tpu.memref_squeeze %dma_start3A_131 : memref<1x16x384xf32, #tpu.memory_space<vmem>> -> memref<16x384xf32, #tpu.memory_space<vmem>>
      %dma_start3A_133 = arith.constant 32 : i32
      %dma_start3A_134 = arith.constant 0 : i32
      %dma_start3A_135 = tpu.memref_slice %arg4[%add3A, %dma_start3A_133, %dma_start3A_134] : memref<30x48x384xf32, #tpu.memory_space<hbm>> -> memref<1x16x384xf32, #tpu.memory_space<hbm>>
      %dma_start3A_136 = tpu.memref_squeeze %dma_start3A_135 : memref<1x16x384xf32, #tpu.memory_space<hbm>> -> memref<16x384xf32, #tpu.memory_space<hbm>>
      %dma_start3A_137 = arith.constant 32 : i32
      %dma_start3A_138 = arith.constant 0 : i32
      %dma_start3A_139 = tpu.memref_slice %arg4[%add3A, %dma_start3A_137, %dma_start3A_138] : memref<30x48x384xf32, #tpu.memory_space<hbm>> -> memref<1x16x384xf32, #tpu.memory_space<hbm>>
      %dma_start3A_140 = tpu.memref_squeeze %dma_start3A_139 : memref<1x16x384xf32, #tpu.memory_space<hbm>> -> memref<16x384xf32, #tpu.memory_space<hbm>>
      %dma_start3A_141 = arith.constant 0 : i32
      %dma_start3A_142 = arith.constant 0 : i32
      %dma_start3A_143 = tpu.memref_slice %arg6[%dma_start3A_128, %dma_start3A_141, %dma_start3A_142] : memref<3x16x384xf32, #tpu.memory_space<vmem>> -> memref<1x16x384xf32, #tpu.memory_space<vmem>>
      %dma_start3A_144 = tpu.memref_squeeze %dma_start3A_143 : memref<1x16x384xf32, #tpu.memory_space<vmem>> -> memref<16x384xf32, #tpu.memory_space<vmem>>
      tpu.enqueue_dma source(%dma_start3A_144 : memref<16x384xf32, #tpu.memory_space<vmem>>) target(%dma_start3A_140 : memref<16x384xf32, #tpu.memory_space<hbm>>) target_semaphore(%arg10 : memref<!tpu.dma_semaphore, #tpu.memory_space<semaphore_mem>>)
      %dma_wait3A_145 = arith.constant 0 : i32
      %dma_wait3A_146 = arith.constant 0 : i32
      %dma_wait3A_147 = arith.constant 0 : i32
      %dma_wait3A_148 = tpu.memref_slice %arg6[%dma_wait3A_145, %dma_wait3A_146, %dma_wait3A_147] : memref<3x16x384xf32, #tpu.memory_space<vmem>> -> memref<1x16x384xf32, #tpu.memory_space<vmem>>
      %dma_wait3A_149 = tpu.memref_squeeze %dma_wait3A_148 : memref<1x16x384xf32, #tpu.memory_space<vmem>> -> memref<16x384xf32, #tpu.memory_space<vmem>>
      %dma_wait3A_150 = arith.constant 0 : i32
      %dma_wait3A_151 = arith.constant 0 : i32
      %dma_wait3A_152 = tpu.memref_slice %arg4[%add3A, %dma_wait3A_150, %dma_wait3A_151] : memref<30x48x384xf32, #tpu.memory_space<hbm>> -> memref<1x16x384xf32, #tpu.memory_space<hbm>>
      %dma_wait3A_153 = tpu.memref_squeeze %dma_wait3A_152 : memref<1x16x384xf32, #tpu.memory_space<hbm>> -> memref<16x384xf32, #tpu.memory_space<hbm>>
      %dma_wait3A_154 = arith.constant 0 : i32
      %dma_wait3A_155 = arith.constant 0 : i32
      %dma_wait3A_156 = tpu.memref_slice %arg4[%add3A, %dma_wait3A_154, %dma_wait3A_155] : memref<30x48x384xf32, #tpu.memory_space<hbm>> -> memref<1x16x384xf32, #tpu.memory_space<hbm>>
      %dma_wait3A_157 = tpu.memref_squeeze %dma_wait3A_156 : memref<1x16x384xf32, #tpu.memory_space<hbm>> -> memref<16x384xf32, #tpu.memory_space<hbm>>
      %dma_wait3A_158 = arith.constant 0 : i32
      %dma_wait3A_159 = arith.constant 0 : i32
      %dma_wait3A_160 = tpu.memref_slice %arg6[%dma_wait3A_145, %dma_wait3A_158, %dma_wait3A_159] : memref<3x16x384xf32, #tpu.memory_space<vmem>> -> memref<1x16x384xf32, #tpu.memory_space<vmem>>
      %dma_wait3A_161 = tpu.memref_squeeze %dma_wait3A_160 : memref<1x16x384xf32, #tpu.memory_space<vmem>> -> memref<16x384xf32, #tpu.memory_space<vmem>>
      tpu.wait_dma2 semaphore(%arg10 : memref<!tpu.dma_semaphore, #tpu.memory_space<semaphore_mem>>) src(%dma_wait3A_161 : memref<16x384xf32, #tpu.memory_space<vmem>>) dst(%dma_wait3A_157 : memref<16x384xf32, #tpu.memory_space<hbm>>)
      %dma_wait3A_162 = arith.constant 1 : i32
      %dma_wait3A_163 = arith.constant 0 : i32
      %dma_wait3A_164 = arith.constant 0 : i32
      %dma_wait3A_165 = tpu.memref_slice %arg6[%dma_wait3A_162, %dma_wait3A_163, %dma_wait3A_164] : memref<3x16x384xf32, #tpu.memory_space<vmem>> -> memref<1x16x384xf32, #tpu.memory_space<vmem>>
      %dma_wait3A_166 = tpu.memref_squeeze %dma_wait3A_165 : memref<1x16x384xf32, #tpu.memory_space<vmem>> -> memref<16x384xf32, #tpu.memory_space<vmem>>
      %dma_wait3A_167 = arith.constant 16 : i32
      %dma_wait3A_168 = arith.constant 0 : i32
      %dma_wait3A_169 = tpu.memref_slice %arg4[%add3A, %dma_wait3A_167, %dma_wait3A_168] : memref<30x48x384xf32, #tpu.memory_space<hbm>> -> memref<1x16x384xf32, #tpu.memory_space<hbm>>
      %dma_wait3A_170 = tpu.memref_squeeze %dma_wait3A_169 : memref<1x16x384xf32, #tpu.memory_space<hbm>> -> memref<16x384xf32, #tpu.memory_space<hbm>>
      %dma_wait3A_171 = arith.constant 16 : i32
      %dma_wait3A_172 = arith.constant 0 : i32
      %dma_wait3A_173 = tpu.memref_slice %arg4[%add3A, %dma_wait3A_171, %dma_wait3A_172] : memref<30x48x384xf32, #tpu.memory_space<hbm>> -> memref<1x16x384xf32, #tpu.memory_space<hbm>>
      %dma_wait3A_174 = tpu.memref_squeeze %dma_wait3A_173 : memref<1x16x384xf32, #tpu.memory_space<hbm>> -> memref<16x384xf32, #tpu.memory_space<hbm>>
      %dma_wait3A_175 = arith.constant 0 : i32
      %dma_wait3A_176 = arith.constant 0 : i32
      %dma_wait3A_177 = tpu.memref_slice %arg6[%dma_wait3A_162, %dma_wait3A_175, %dma_wait3A_176] : memref<3x16x384xf32, #tpu.memory_space<vmem>> -> memref<1x16x384xf32, #tpu.memory_space<vmem>>
      %dma_wait3A_178 = tpu.memref_squeeze %dma_wait3A_177 : memref<1x16x384xf32, #tpu.memory_space<vmem>> -> memref<16x384xf32, #tpu.memory_space<vmem>>
      tpu.wait_dma2 semaphore(%arg10 : memref<!tpu.dma_semaphore, #tpu.memory_space<semaphore_mem>>) src(%dma_wait3A_178 : memref<16x384xf32, #tpu.memory_space<vmem>>) dst(%dma_wait3A_174 : memref<16x384xf32, #tpu.memory_space<hbm>>)
      %dma_wait3A_179 = arith.constant 2 : i32
      %dma_wait3A_180 = arith.constant 0 : i32
      %dma_wait3A_181 = arith.constant 0 : i32
      %dma_wait3A_182 = tpu.memref_slice %arg6[%dma_wait3A_179, %dma_wait3A_180, %dma_wait3A_181] : memref<3x16x384xf32, #tpu.memory_space<vmem>> -> memref<1x16x384xf32, #tpu.memory_space<vmem>>
      %dma_wait3A_183 = tpu.memref_squeeze %dma_wait3A_182 : memref<1x16x384xf32, #tpu.memory_space<vmem>> -> memref<16x384xf32, #tpu.memory_space<vmem>>
      %dma_wait3A_184 = arith.constant 32 : i32
      %dma_wait3A_185 = arith.constant 0 : i32
      %dma_wait3A_186 = tpu.memref_slice %arg4[%add3A, %dma_wait3A_184, %dma_wait3A_185] : memref<30x48x384xf32, #tpu.memory_space<hbm>> -> memref<1x16x384xf32, #tpu.memory_space<hbm>>
      %dma_wait3A_187 = tpu.memref_squeeze %dma_wait3A_186 : memref<1x16x384xf32, #tpu.memory_space<hbm>> -> memref<16x384xf32, #tpu.memory_space<hbm>>
      %dma_wait3A_188 = arith.constant 32 : i32
      %dma_wait3A_189 = arith.constant 0 : i32
      %dma_wait3A_190 = tpu.memref_slice %arg4[%add3A, %dma_wait3A_188, %dma_wait3A_189] : memref<30x48x384xf32, #tpu.memory_space<hbm>> -> memref<1x16x384xf32, #tpu.memory_space<hbm>>
      %dma_wait3A_191 = tpu.memref_squeeze %dma_wait3A_190 : memref<1x16x384xf32, #tpu.memory_space<hbm>> -> memref<16x384xf32, #tpu.memory_space<hbm>>
      %dma_wait3A_192 = arith.constant 0 : i32
      %dma_wait3A_193 = arith.constant 0 : i32
      %dma_wait3A_194 = tpu.memref_slice %arg6[%dma_wait3A_179, %dma_wait3A_192, %dma_wait3A_193] : memref<3x16x384xf32, #tpu.memory_space<vmem>> -> memref<1x16x384xf32, #tpu.memory_space<vmem>>
      %dma_wait3A_195 = tpu.memref_squeeze %dma_wait3A_194 : memref<1x16x384xf32, #tpu.memory_space<vmem>> -> memref<16x384xf32, #tpu.memory_space<vmem>>
      tpu.wait_dma2 semaphore(%arg10 : memref<!tpu.dma_semaphore, #tpu.memory_space<semaphore_mem>>) src(%dma_wait3A_195 : memref<16x384xf32, #tpu.memory_space<vmem>>) dst(%dma_wait3A_191 : memref<16x384xf32, #tpu.memory_space<hbm>>)
    } else {
    }
    return
  }
}

</mosaic_0001>

<sc_bundles>
// kernel: _sampler.3.cloned.1.call-start
scs
__scs_entry_jumppad:
0x0: {  	(pc) =	sbr.rel $0x88, $3  }
0x1: {  	(tag) =	ssettag $0x0;
	lr =	simm.s32 $0x1  }
0x2: {  	[smem:$0x3F9F] =	sst lr;
	_ =	strace $0xD0000000  }
0x3: {  	_ = 	snop  }
0x4: {  	_ = 	snop  }
0x5: {  	_ = 	snop  }
0x6: {  	_ = 	snop  }
0x7: {  	_ = 	snop  }
__scs_overlays_trampoline_lowered:
0x8: {  	[smem:$0x3FAE] =	sst s0  }
0x9: {  	[smem:$0x3FAF] =	sst s1  }
0xa: {  	[smem:$0x3FB0] =	sst s2  }
0xb: {  	[smem:$0x3FB1] =	sst s3  }
0xc: {  	[smem:$0x3FB2] =	sst s4  }
0xd: {  	[smem:$0x3FB3] =	sst s5  }
0xe: {  	[smem:$0x3FB4] =	sst s6  }
0xf: {  	[smem:$0x3FB5] =	sst s7  }
0x10: {  	[smem:$0x3FB6] =	sst s8  }
0x11: {  	[smem:$0x3FB7] =	sst s9;
	s0 =	simm.s32 @!p0 $0x0  }
0x12: {  	s1 =	sld [smem:$0x3F9D];
	s0 =	simm.s32 @p0 $0x1  }
0x13: {  	[smem:$0x3FB8] =	sst s0;
	s0 =	simm.s32 @!p1 $0x0  }
0x14: {  	s2 =	sld [smem:$0x3F9C];
	s0 =	simm.s32 @p1 $0x1  }
0x15: {  	[smem:$0x3FB9] =	sst s0;
	s0 =	simm.s32 @!p2 $0x0  }
0x16: {  	s3 =	sld [smem:$0x3FDB];
	s0 =	simm.s32 @p2 $0x1  }
0x17: {  	s4 =	simm.s32 $0x1BF5;
	[smem:$0x3FBB] =	sst s0  }
0x18: {  	s0 =	sld [smem:$0x3F9E];
	_ =	swait.ge [sflag:s4], $0x0  }
0x19: {  	s7 =	sld [smem:$0x3F9F]  }
0x1a: {  	s8 =	sadd.s32 $0xFFFFE003, lr  }
0x1b: {  	s9 =	sadd.s32 $0xFFFFFEF7, lr;
	s5 =	simm.s32 $0xFFFFFFFF;
	p2 =	slt.u32 s8, $0xFFFFF086  }
0x1c: {  	p1 =	slt.u32 s9, $0xF7A;
	s5 =	simm.s32 @!p2 $0x0  }
0x1d: {  	s5 =	simm.s32 @p1 $0x1;
	p0 =	seq.s32 s7, s2  }
0x1e: {  	s7 =	smul.u32 @!p0 $0xF7A, s2;
	p2 =	seq.s32 @!p0 s5, $0x0  }
0x1f: {  	s9 =	smul.u32 $0xF7A, s1;
	s8 =	simm.s32 @!p0 $0x1BF5;
	p2 =	por !p2, p0  }
0x20: {  	[sflag:s8] =	ssyncset.s32 @!p0 $0xFFFFF086;
	s6 =	sadd.s32 @!p0 s3, s7;
	s7 =	simm.s32 @!p0 $0x108  }
0x21: {  	s3 =	sadd.s32 s3, s9;
	s6 =	sadd.s32 @!p0 $0x88, s6;
	s7 =	simm.s32 @p2 $0x1082  }
0x22: {  	[simem:s7], [sflag:s8] =	dma.local @!p0 [hbm:s6], $0xF7A  }
0x23: {  	s9 =	sor.u32 $0xD0000000, s2;
	s6 =	simm.s32 $0x108;
	_ =	swait.ge @!p0 [sflag:s8], $0x0  }
0x24: {  	s3 =	sadd.s32 $0x88, s3;
	s6 =	simm.s32 @!p1 $0x1082;
	[sflag:s4] =	ssyncset.s32 $0xFFFFF086  }
0x25: {  	[simem:s6], [sflag:s4] =	dma.local [hbm:s3], $0xF7A  }
0x26: {  	[smem:$0x3F9F] =	sst s1;
	(tag) =	ssettag s2;
	_ =	strace s9  }
0x27: {  	s1 =	sld [smem:$0x3FAF]  }
0x28: {  	s2 =	sld [smem:$0x3FB0]  }
0x29: {  	s4 =	sld [smem:$0x3FB2]  }
0x2a: {  	p0 =	seq.s32 s5, $0x0;
	s5 =	sld [smem:$0x3FB3]  }
0x2b: {  	s6 =	sld [smem:$0x3FB4]  }
0x2c: {  	s7 =	sld [smem:$0x3FB5]  }
0x2d: {  	s3 =	simm.s32 $0x108;
	s8 =	sld [smem:$0x3FB6]  }
0x2e: {  	s3 =	simm.s32 @!p0 $0x1082;
	s9 =	sld [smem:$0x3FB7]  }
0x2f: {  	lr =	sadd.s32 s0, s3;
	s0 =	sld [smem:$0x3FAE]  }
0x30: {  	s3 =	sld [smem:$0x3FB1]  }
0x31: {  	[smem:$0x3FBA] =	sst s10  }
0x32: {  	s10 =	sld [smem:$0x3FB8];
	_ =	sdelay $0x3  }
0x33: {  	p0 =	seq.s32 s10, $0x1;
	s10 =	sld [smem:$0x3FBA];
	_ =	sdelay $0x3  }
0x34: {  	[smem:$0x3FBA] =	sst s10  }
0x35: {  	s10 =	sld [smem:$0x3FB9];
	_ =	sdelay $0x3  }
0x36: {  	p1 =	seq.s32 s10, $0x1;
	s10 =	sld [smem:$0x3FBA];
	_ =	sdelay $0x3  }
0x37: {  	[smem:$0x3FBA] =	sst s10  }
0x38: {  	s10 =	sld [smem:$0x3FBB]  }
0x39: {  	_ = 	snop;
	(pc) =	sbr.ind lr, $3  }
0x3a: {  	_ = 	snop  }
0x3b: {  	_ = 	snop  }
0x3c: {  	p2 =	seq.s32 s10, $0x1;
	s10 =	sld [smem:$0x3FBA]  }
0x3d: {  	_ =	shalt  }
0x3e: {  	_ =	shalt  }
0x3f: {  	_ =	shalt  }
0x40: {  	_ =	shalt  }
0x41: {  	_ =	shalt  }
0x42: {  	_ =	shalt  }
0x43: {  	_ =	shalt  }
0x44: {  	_ =	shalt  }
0x45: {  	_ =	shalt  }
0x46: {  	_ =	shalt  }
0x47: {  	_ =	shalt  }
0x48: {  	_ =	shalt  }
0x49: {  	_ =	shalt  }
0x4a: {  	_ =	shalt  }
0x4b: {  	_ =	shalt  }
0x4c: {  	_ =	shalt  }
0x4d: {  	_ =	shalt  }
0x4e: {  	_ =	shalt  }
0x4f: {  	_ =	shalt  }
0x50: {  	_ =	shalt  }
0x51: {  	_ =	shalt  }
0x52: {  	_ =	shalt  }
0x53: {  	_ =	shalt  }
0x54: {  	_ =	shalt  }
0x55: {  	_ =	shalt  }
0x56: {  	_ =	shalt  }
0x57: {  	_ =	shalt  }
0x58: {  	_ =	shalt  }
0x59: {  	_ =	shalt  }
0x5a: {  	_ =	shalt  }
0x5b: {  	_ =	shalt  }
0x5c: {  	_ =	shalt  }
0x5d: {  	_ =	shalt  }
0x5e: {  	_ =	shalt  }
0x5f: {  	_ =	shalt  }
0x60: {  	_ =	shalt  }
0x61: {  	_ =	shalt  }
0x62: {  	_ =	shalt  }
0x63: {  	_ =	shalt  }
0x64: {  	_ =	shalt  }
0x65: {  	_ =	shalt  }
0x66: {  	_ =	shalt  }
0x67: {  	_ =	shalt  }
0x68: {  	_ =	shalt  }
0x69: {  	_ =	shalt  }
0x6a: {  	_ =	shalt  }
0x6b: {  	_ =	shalt  }
0x6c: {  	_ =	shalt  }
0x6d: {  	_ =	shalt  }
0x6e: {  	_ =	shalt  }
0x6f: {  	_ =	shalt  }
0x70: {  	_ =	shalt  }
0x71: {  	_ =	shalt  }
0x72: {  	_ =	shalt  }
0x73: {  	_ =	shalt  }
0x74: {  	_ =	shalt  }
0x75: {  	_ =	shalt  }
0x76: {  	_ =	shalt  }
0x77: {  	_ =	shalt  }
0x78: {  	_ =	shalt  }
0x79: {  	_ =	shalt  }
0x7a: {  	_ =	shalt  }
0x7b: {  	_ =	shalt  }
0x7c: {  	_ =	shalt  }
0x7d: {  	_ =	shalt  }
0x7e: {  	_ =	shalt  }
0x7f: {  	_ =	shalt  }
0x80: {  	_ =	shalt  }
0x81: {  	_ =	shalt  }
0x82: {  	_ =	shalt  }
0x83: {  	_ =	shalt  }
0x84: {  	_ =	shalt  }
0x85: {  	_ =	shalt  }
0x86: {  	_ =	shalt  }
0x87: {  	_ =	shalt  }
.Lfunc_end0:
.L_simem_size_0:
called_computation_lowered:
.L_overlay_start_0:
0x88: {  	s2 =	sld [smem:$0x3FD9]  }
0x89: {  	s3 =	sld [smem:$0x3FFE];
	_ =	sdelay $0x1  }
0x8a: {  	s1 =	srdreg.scid  }
0x8b: {  	s0 =	sand.u32 $0x1, s1  }
0x8c: {  	s18 =	sshll.u32 s0, $0xA;
	s2 =	sadd.s32 s3, s2  }
0x8d: {  	s2 =	sadd.s32 s2, s18  }
0x8e: {  	[smem:$0x3FC6] =	sst s2  }
0x8f: {  	_ = 	snop  }
0x90: {  	s2 =	sld [smem:$0x3FC9]  }
0x91: {  	s19 =	sld [smem:$0x3FC8]  }
0x92: {  	s4 =	sld [smem:$0x3FD0];
	(tm) =	ssettm $0x1  }
0x93: {  	s5 =	sld [smem:$0x3FFB];
	_ =	sdelay $0x3  }
0x94: {  	_ =	strace s5  }
0x95: {  	s5 =	sld [smem:$0x3FFC];
	_ =	sdelay $0x3  }
0x96: {  	_ =	strace s5  }
0x97: {  	s5 =	sld [smem:$0x3FFD];
	_ =	sdelay $0x3  }
0x98: {  	_ =	strace s5  }
0x99: {  	_ =	strace $0x8FFFFFFF  }
0x9a: {  	s20 =	sld [smem:$0x3FDB];
	_ =	sdelay $0x1  }
0x9b: {  	s6 =	simm.s32 $_scs_section_size  }
0x9c: {  	s7 =	simm.s32 $_size__tile_overlayer_lowered;
	s8 =	simm.s32 $_tile_overlayer_lowered  }
0x9d: {  	s23 =	simm.s32 $0x1BFF;
	s22 =	sshll.u32 s8, $0x1;
	s5 =	sadd.s32 s6, s20  }
0x9e: {  	s9 =	simm.s32 $0x0;
	s21 =	sshll.u32 s7, $0x1;
	s7 =	sadd.s32 s22, s5  }
0x9f: {  	[timem:s9], [sflag:s23] =	dma.local [hbm:s7], s21  }
0xa0: {  	_ =	swait.ge [sflag:s23], s21  }
0xa1: {  	s6 =	ssub.s32 $0x0, s21;
	[sflag:s23] =	ssyncset.done $0x0  }
0xa2: {  	[sflag:s23] =	ssyncadd.s32 s6;
	_ =	sdelay $0x1  }
0xa3: {  	s24 =	simm.s32 $0x1B8B  }
0xa4: {  	_ =	swait.ge [sflag:s24], $0x1  }
0xa5: {  	[sflag:s24] =	ssyncset.done $0x0  }
0xa6: {  	s25 =	simm.s32 $0x1B8E;
	[sflag:s24] =	ssyncadd.s32 $0xFFFFFFFF  }
0xa7: {  	s26 =	simm.s32 $execute0_lowered;
	[smem:$0x3FD2] =	sst s25  }
0xa8: {  	s6 =	sshll.u32 s26, $0x1;
	_ =	strace $0x80000046;
	[dreg:$0x1] =	wrdreg $0xFFFFFFFF  }
0xa9: {  	s28 =	simm.s32 $_size_execute0_lowered;
	s5 =	sadd.s32 s5, s6;
	[dreg:$0x0] =	wrdreg $0x0  }
0xaa: {  	s6 =	sshll.u32 s28, $0x1;
	[dreg:$0x2] =	wrdreg s5  }
0xab: {  	[dreg:$0x3] =	wrdreg s6  }
0xac: {  	[dreg:$0x4] =	wrdreg $0xC0  }
0xad: {  	_ =	task [dreg:s9], $0x5FFFF  }
0xae: {  	[dreg:$0x1] =	wrdreg $0xFFFFFFFF  }
0xaf: {  	[dreg:$0x0] =	wrdreg $0x60  }
0xb0: {  	[dreg:$0x2] =	wrdreg s2  }
0xb1: {  	[dreg:$0x3] =	wrdreg s19  }
0xb2: {  	[dreg:$0x4] =	wrdreg s4  }
0xb3: {  	[dreg:$0x5] =	wrdreg $0x9  }
0xb4: {  	_ =	task.clear_ibuf [dreg:s9], $0x6FFFF;
	_ =	strace $0x90000046  }
0xb5: {  	s29 =	simm.s32 $0x9;
	_ =	strace $0x80000048  }
0xb6: {  	_ =	swait.ge [sflag:s29], $0x1  }
0xb7: {  	[sflag:s29] =	ssyncadd.s32 $0xFFFFFFFF  }
0xb8: {  	_ =	strace $0x90000048  }
0xb9: {  	_ =	sfence  }
0xba: {  	s30 =	sld [smem:$0x0];
	_ =	sdelay $0x2  }
0xbb: {  	s31 =	sshll.u32 s1, $0xD;
	s1 =	sshrl.u32 s1, $0x2  }
0xbc: {  	s3 =	sand.u32 $0x4000, s31;
	s1 =	sadd.s32 s1, s30  }
0xbd: {  	s0 =	sor.u32 s3, s0;
	s1 =	sshll.u32 s1, $0x11  }
0xbe: {  	s0 =	sor.u32 s1, s0  }
0xbf: {  	s0 =	sadd.s32 $0x8F2B, s0  }
0xc0: {  	[sflag:s0] =	ssyncadd.remote.s32 $0x1  }
0xc1: {  	_ =	sfence.sel $0xFFFF  }
0xc2: {  	[dreg:$0x0] =	wrdreg $0xFFFFFFFF;
	(pc) =	sbr.abs _section_cstart, $3  }
0xc3: {  	[dreg:$0x1] =	wrdreg $0xFFFFFFFF  }
0xc4: {  	_ =	task.clear_ibuf [dreg:s9], $0x2FFFF;
	_ =	strace $0x9FFFFFFF  }
0xc5: {  	(tm) =	ssettm $0x7FFFFFFF  }
tec
execute0_lowered:
.L_overlay_start_1:
0x0: {  	(tag) =	ssettag $0x1  }
0x1: {  	s2 =	stileid.u32  }
0x2: {  	p0 =	seq.s32 s2, $0xF  }
.Ltmp0:
0x3: {  	s1 =	rddreg [dreg:$0x0];
	(pc) =	sbr.rel @p0 .LBB2_3-.Ltmp0, $4  }
0x4: {  	s3 =	rddreg [dreg:$0x1]  }
0x5: {  	s6 =	rddreg [dreg:$0x2];
	s4 =	simm.s32 $0x0  }
0x6: {  	[smem:$0x7FF] =	sst s4  }
0x7: {  	s0 =	rddreg [dreg:$0x3];
	_ =	strace $0x80000047  }
0x8: {  	s5 =	srdreg.scid  }
0x9: {  	s30 =	sshll.u32 s2, $0x1;
	s13 =	simm.s32 $0x1C00;
	s14 =	simm.s32 $0x2400  }
0xa: {  	s15 =	simm.s32 $0x2800;
	s16 =	simm.s32 $0x3000;
	s7 =	sand.u32 $0x1, s5  }
0xb: {  	s17 =	simm.s32 $0x3400;
	s18 =	simm.s32 $0x3C00;
	s5 =	sor.u32 s7, s30  }
0xc: {  	v9 =	vlaneseq.u32;
	s19 =	simm.s32 $0x4000;
	s20 =	simm.s32 $0x4800;
	s8 =	smul.u32 $0x3, s5  }
0xd: {  	vm0 =	vmmov $0xffff;
	s21 =	simm.s32 $0x4C00;
	s22 =	simm.s32 $0x5400;
	s23 =	simm.s32 $0x1;
	vm1 =	vmmov $0xff;
	v4 =	vmul.u32 $0x100, v9  }
0xe: {  	s24 =	simm.s32 $0x2;
	v7 =	vand.u32 $0x7, v9;
	v8 =	vshrl.u32 v9, $0x3;
	s9 =	smul.u32 $0x4800, s5;
	v0 =	vmov s8;
	s10 =	sadd.s32 $0x1, s8  }
0xf: {  	s25 =	simm.s32 $0x3;
	s11 =	ssub.s32 $0x2, s7;
	v8 =	vmul.u32 $0x8, v8;
	s12 =	sadd.s32 $0x2, s8;
	v1 =	vbroadcast v0, $0x0;
	v2 =	vmov s10  }
0x10: {  	s26 =	simm.s32 $0x4;
	s31 =	sshrl.u32 s11, $0x1;
	v5 =	vor.u32 $0x80, v4;
	s9 =	sshrl.u32 s9, $0x3;
	v6 =	vmov s12;
	v3 =	vand.u32 $0x7FFFFFFF, v2  }
0x11: {  	s5 =	sadd.s32 $0x100, s1;
	s6 =	sadd.s32 s6, s9;
	s9 =	ssub.s32 s11, s31;
	v6 =	vand.u32 $0x7FFFFFFF, v6;
	v0 =	vor.u32 v4, v1;
	v1 =	vor.u32 v5, v1  }
0x12: {  	s10 =	simm.s32 $0x5;
	s11 =	simm.s32 $0x1000;
	s12 =	simm.s32 $0x1800;
	v2 =	vadd.s32 v4, v3;
	v3 =	vadd.s32 v5, v3;
	v4 =	vadd.s32 v4, v6  }
0x13: {  	s7 =	sadd.s32 $0x300, s6;
	s8 =	sadd.s32 $0x600, s6;
	s9 =	smax.u32 s9, $0x1;
	v5 =	vadd.s32 v5, v6;
	v6 =	vmul.u32 $0x2400, v9;
	v9 =	vor.u32 $0x8, v9  }
.LBB2_2:
0x14: {  	[tilespmem:s4], [sflag:$0x5] =	stream.linear.gather [hbm4b:s3+s4], $0x1000, $0x38;
	[tilespmem:$0x5800] =	vst v63  }
0x15: {  	_ =	swait.ge [sflag:s10], $0x1000  }
0x16: {  	[sflag:s10] =	ssyncset.done $0x0  }
0x17: {  	[sflag:s10] =	ssyncadd.s32 $0xFFFFF000  }
0x18: {  	v10 =	vld.idx.msk [tilespmem:v0+s4+$0x0], $0xffff;
	_ =	sdelay $0x1  }
0x19: {  	v11 =	vld.idx.msk [tilespmem:v1+s4+$0x0], $0xffff;
	_ =	sdelay $0x2  }
0x1a: {  	v10 =	vmul.u32 $0x60, v10;
	_ =	sdelay $0x1  }
0x1b: {  	v10 =	vadd.s32 v11, v10  }
0x1c: {  	v10 =	vadd.s32 v6, v10  }
0x1d: {  	v10 =	vshrl.u32 v10, $0x3  }
0x1e: {  	v10 =	vmul.u32 $0x18, v10  }
0x1f: {  	v11 =	vand.u32 $0x7, v11  }
0x20: {  	v10 =	vor.u32 v11, v10  }
0x21: {  	v11 =	vperm.xlane v10, v7;
	_ =	sdelay $0x1  }
0x22: {  	v11 =	vadd.s32 v8, v11;
	_ =	sdelay $0x1  }
0x23: {  	v10 =	vperm.xlane v10, v9;
	_ =	sdelay $0x1  }
0x24: {  	v10 =	vadd.s32 v8, v10  }
0x25: {  	[tilespmem:s11], [sflag:$0x1] =	stream.indirect_vreg.gather [hbm4b:s1+s4], $0x80, v11, vm0, $0xb8;
	[tilespmem:$0x5800] =	vst v63  }
0x26: {  	_ = 	snop  }
0x27: {  	[tilespmem:s12], [sflag:$0x1] =	stream.indirect_vreg.gather [hbm4b:s5+s4], $0x80, v11, vm1, $0xb8;
	[tilespmem:$0x5800] =	vst v63  }
0x28: {  	_ = 	snop  }
0x29: {  	[tilespmem:s13], [sflag:$0x1] =	stream.indirect_vreg.gather [hbm4b:s1+s4], $0x80, v10, vm0, $0xb8;
	[tilespmem:$0x5800] =	vst v63  }
0x2a: {  	_ = 	snop  }
0x2b: {  	[tilespmem:s14], [sflag:$0x1] =	stream.indirect_vreg.gather [hbm4b:s5+s4], $0x80, v10, vm1, $0xb8;
	[tilespmem:$0x5800] =	vst v63  }
0x2c: {  	v10 =	vld.idx.msk [tilespmem:v2+s4+$0x0], $0xffff;
	_ =	sdelay $0x1  }
0x2d: {  	v11 =	vld.idx.msk [tilespmem:v3+s4+$0x0], $0xffff;
	_ =	sdelay $0x2  }
0x2e: {  	v10 =	vmul.u32 $0x60, v10;
	_ =	sdelay $0x1  }
0x2f: {  	v10 =	vadd.s32 v11, v10  }
0x30: {  	v10 =	vadd.s32 v6, v10  }
0x31: {  	v10 =	vshrl.u32 v10, $0x3  }
0x32: {  	v10 =	vmul.u32 $0x18, v10  }
0x33: {  	v11 =	vand.u32 $0x7, v11  }
0x34: {  	v10 =	vor.u32 v11, v10  }
0x35: {  	v11 =	vperm.xlane v10, v7;
	_ =	sdelay $0x1  }
0x36: {  	v11 =	vadd.s32 v8, v11;
	_ =	sdelay $0x1  }
0x37: {  	v10 =	vperm.xlane v10, v9;
	_ =	sdelay $0x1  }
0x38: {  	v10 =	vadd.s32 v8, v10  }
0x39: {  	[tilespmem:s15], [sflag:$0x2] =	stream.indirect_vreg.gather [hbm4b:s1+s4], $0x80, v11, vm0, $0xb8;
	[tilespmem:$0x5800] =	vst v63  }
0x3a: {  	_ = 	snop  }
0x3b: {  	[tilespmem:s16], [sflag:$0x2] =	stream.indirect_vreg.gather [hbm4b:s5+s4], $0x80, v11, vm1, $0xb8;
	[tilespmem:$0x5800] =	vst v63  }
0x3c: {  	_ = 	snop  }
0x3d: {  	[tilespmem:s17], [sflag:$0x2] =	stream.indirect_vreg.gather [hbm4b:s1+s4], $0x80, v10, vm0, $0xb8;
	[tilespmem:$0x5800] =	vst v63  }
0x3e: {  	_ = 	snop  }
0x3f: {  	[tilespmem:s18], [sflag:$0x2] =	stream.indirect_vreg.gather [hbm4b:s5+s4], $0x80, v10, vm1, $0xb8;
	[tilespmem:$0x5800] =	vst v63  }
0x40: {  	v10 =	vld.idx.msk [tilespmem:v4+s4+$0x0], $0xffff;
	_ =	sdelay $0x1  }
0x41: {  	v11 =	vld.idx.msk [tilespmem:v5+s4+$0x0], $0xffff;
	_ =	sdelay $0x2  }
0x42: {  	v10 =	vmul.u32 $0x60, v10;
	_ =	sdelay $0x1  }
0x43: {  	v10 =	vadd.s32 v11, v10  }
0x44: {  	v10 =	vadd.s32 v6, v10  }
0x45: {  	v10 =	vshrl.u32 v10, $0x3  }
0x46: {  	v10 =	vmul.u32 $0x18, v10  }
0x47: {  	v11 =	vand.u32 $0x7, v11  }
0x48: {  	v10 =	vor.u32 v11, v10  }
0x49: {  	v11 =	vperm.xlane v10, v7;
	_ =	sdelay $0x1  }
0x4a: {  	v11 =	vadd.s32 v8, v11;
	_ =	sdelay $0x1  }
0x4b: {  	v10 =	vperm.xlane v10, v9;
	_ =	sdelay $0x1  }
0x4c: {  	v10 =	vadd.s32 v8, v10  }
0x4d: {  	[tilespmem:s19], [sflag:$0x3] =	stream.indirect_vreg.gather [hbm4b:s1+s4], $0x80, v11, vm0, $0xb8;
	[tilespmem:$0x5800] =	vst v63  }
0x4e: {  	_ = 	snop  }
0x4f: {  	[tilespmem:s20], [sflag:$0x3] =	stream.indirect_vreg.gather [hbm4b:s5+s4], $0x80, v11, vm1, $0xb8;
	[tilespmem:$0x5800] =	vst v63  }
0x50: {  	_ = 	snop  }
0x51: {  	[tilespmem:s21], [sflag:$0x3] =	stream.indirect_vreg.gather [hbm4b:s1+s4], $0x80, v10, vm0, $0xb8;
	[tilespmem:$0x5800] =	vst v63  }
0x52: {  	_ = 	snop  }
0x53: {  	[tilespmem:s22], [sflag:$0x3] =	stream.indirect_vreg.gather [hbm4b:s5+s4], $0x80, v10, vm1, $0xb8;
	[tilespmem:$0x5800] =	vst v63  }
0x54: {  	_ =	swait.ge [sflag:s23], $0x1800  }
0x55: {  	[sflag:s23] =	ssyncset.done $0x0  }
0x56: {  	[sflag:s23] =	ssyncadd.s32 $0xFFFFE800  }
0x57: {  	[hbm4b:s6+s4] =	stream.linear.scatter [tilespmem:s11], [sflag:$0x4], $0x1800, $0x38;
	[tilespmem:$0x5800] =	vst v63  }
0x58: {  	_ =	swait.ge [sflag:s24], $0x1800  }
0x59: {  	[sflag:s24] =	ssyncset.done $0x0  }
0x5a: {  	[sflag:s24] =	ssyncadd.s32 $0xFFFFE800  }
0x5b: {  	[hbm4b:s7+s4] =	stream.linear.scatter [tilespmem:s15], [sflag:$0x4], $0x1800, $0x38;
	[tilespmem:$0x5800] =	vst v63  }
0x5c: {  	_ =	swait.ge [sflag:s25], $0x1800  }
0x5d: {  	[sflag:s25] =	ssyncset.done $0x0  }
0x5e: {  	[sflag:s25] =	ssyncadd.s32 $0xFFFFE800  }
0x5f: {  	[hbm4b:s8+s4] =	stream.linear.scatter [tilespmem:s19], [sflag:$0x4], $0x1800, $0x38;
	[tilespmem:$0x5800] =	vst v63  }
0x60: {  	_ =	swait.ge [sflag:s26], $0x1800  }
0x61: {  	[sflag:s26] =	ssyncset.done $0x0  }
0x62: {  	[sflag:s26] =	ssyncadd.s32 $0xFFFFE800  }
0x63: {  	p0 =	sne.s32 s9, $0x1;
	_ =	swait.ge [sflag:s26], $0x1800  }
.Ltmp1:
0x64: {  	[sflag:s26] =	ssyncset.done $0x0;
	(pc) =	sbr.rel @p0 .LBB2_2-.Ltmp1, $4  }
0x65: {  	[sflag:s26] =	ssyncadd.s32 $0xFFFFE800  }
0x66: {  	_ =	swait.ge [sflag:s26], $0x1800  }
0x67: {  	[sflag:s26] =	ssyncset.done $0x0  }
0x68: {  	s9 =	sadd.s32 $0xFFFFFFFF, s9;
	[sflag:s26] =	ssyncadd.s32 $0xFFFFE800  }
.LBB2_3:
0x69: {  	_ =	sfence.sel $0x180000  }
0x6a: {  	[bflag:$0x0] =	sbarrier.arrive $0xFFFF  }
0x6b: {  	p0 =	sne.s32 s2, $0x0;
	_ =	strace $0x90000047  }
0x6c: {  	s0 =	sadd.s32 @!p0 $0x100000, s0;
	[bflag:$0x2] =	sbarrier.arrive $0xFFFF  }
0x6d: {  	[sflag:s0] =	ssyncadd.tile.s32 @!p0 $0x1;
	_ =	shalt  }
.Lfunc_end2:
_tile_overlayer_lowered:
.L_overlay_start_2:
0x6e: {  	(tag) =	ssettag $0x2  }
0x6f: {  	s0 =	rddreg [dreg:$0x0];
	s2 =	stileid.u32  }
0x70: {  	s1 =	rddreg [dreg:$0x1];
	p0 =	sne.s32 s2, $0x0  }
0x71: {  	s3 =	rddreg [dreg:$0x2];
	[bflag:$0x3] =	sbarrier.arrive $0xFFFF;
	s2 =	simm.s32 @!p0 $0x1C05  }
0x72: {  	[timem:s3], [sflag:s2] =	dma.local @!p0 [hbm:s0], s1  }
0x73: {  	s0 =	simm.s32 @!p0 $0x5  }
0x74: {  	_ =	swait.ge @!p0 [sflag:s0], s1  }
0x75: {  	s1 =	ssub.s32 @!p0 $0x0, s1;
	[sflag:s0] =	ssyncset.done @!p0 $0x0  }
0x76: {  	[sflag:s0] =	ssyncadd.s32 @!p0 s1  }
0x77: {  	[bflag:$0x3] =	sbarrier.arrive $0xFFFF  }
0x78: {  	_ =	shalt  }

</sc_bundles>
